<compile_context>
chip_gen: v7x
topology: tpu7x:2x2x1
jax: 0.10.2.dev20260603
libtpu: 0.0.44.dev20260713+nightly
codegen_flags: <defaults>
</compile_context>

<pallas_src>
import functools

import jax
import jax.numpy as jnp
from jax import lax
from jax.experimental import pallas as pl
from jax.experimental.pallas import tpu as pltpu
from jax.experimental.pallas import tpu_sc as plsc

_Q = 0.7
_K = 0.5
_C2 = (1.0 - _K ** _Q) / _Q


def _sc_gather(table, idx):
    B = idx.shape[0]
    info = plsc.get_sparse_core_info()
    nw = info.num_cores * info.num_subcores
    bpw = B // nw
    mesh = plsc.VectorSubcoreMesh(core_axis_name="c", subcore_axis_name="s")

    @functools.partial(
        pl.kernel,
        mesh=mesh,
        out_type=jax.ShapeDtypeStruct((B,), jnp.float32),
        scratch_types=[
            pltpu.VMEM((bpw,), jnp.int32),
            pltpu.VMEM((bpw,), jnp.float32),
            pltpu.SemaphoreType.DMA,
        ],
        compiler_params=pltpu.CompilerParams(skip_device_barrier=True),
    )
    def k(table_hbm, idx_hbm, out_hbm, idx_v, rows_v, sem):
        wid = lax.axis_index("s") * info.num_cores + lax.axis_index("c")
        base = wid * bpw
        pltpu.sync_copy(idx_hbm.at[pl.ds(base, bpw)], idx_v)
        pltpu.async_copy(table_hbm.at[idx_v], rows_v, sem).wait()
        pltpu.sync_copy(rows_v, out_hbm.at[pl.ds(base, bpw)])

    return k(table, idx)


def _g_of(x, t_row):
    m = jnp.max(x, axis=0, keepdims=True)
    s = jnp.sum(jnp.exp(x - m), axis=0, keepdims=True)
    rows = lax.broadcasted_iota(jnp.int32, x.shape, 0)
    lt = jnp.sum(jnp.where(rows == t_row, x, 0.0), axis=0, keepdims=True)
    log_yg = lt - m - jnp.log(s)
    return (1.0 - jnp.exp(_Q * log_yg)) / _Q - _C2


def _tc_dense_body(x1_ref, x2_ref, x3_ref, x4_ref,
                   t1_ref, t2_ref, t3_ref, t4_ref,
                   g1_ref, g2_ref, g3_ref, g4_ref):
    g1_ref[:, :] = _g_of(x1_ref[:, :], t1_ref[:, :])
    g2_ref[:, :] = _g_of(x2_ref[:, :], t2_ref[:, :])
    g3_ref[:, :] = _g_of(x3_ref[:, :], t3_ref[:, :])
    g4_ref[:, :] = _g_of(x4_ref[:, :], t4_ref[:, :])


def _tc_dense(logits_t, targets_row):
    C, B = logits_t.shape
    R = 512
    nsteps = B // R // 4
    x_specs = [pl.BlockSpec((C, R), functools.partial(
        lambda q, i: (0, i + q * nsteps), q)) for q in range(4)]
    t_specs = [pl.BlockSpec((1, R), functools.partial(
        lambda q, i: (0, i + q * nsteps), q)) for q in range(4)]
    return pl.pallas_call(
        _tc_dense_body,
        grid=(nsteps,),
        in_specs=x_specs + t_specs,
        out_specs=[pl.BlockSpec((1, R), lambda i: (0, i))] * 4,
        out_shape=[jax.ShapeDtypeStruct((1, B // 4), jnp.float32)] * 4,
    )(logits_t, logits_t, logits_t, logits_t,
      targets_row, targets_row, targets_row, targets_row)


def _combine_body(inv_b, g1_ref, g2_ref, g3_ref, g4_ref, w_ref, o_ref):
    q = w_ref.shape[1] // 4
    tot = (jnp.sum(g1_ref[:, :] * w_ref[:, 0 * q:1 * q])
           + jnp.sum(g2_ref[:, :] * w_ref[:, 1 * q:2 * q])
           + jnp.sum(g3_ref[:, :] * w_ref[:, 2 * q:3 * q])
           + jnp.sum(g4_ref[:, :] * w_ref[:, 3 * q:4 * q]))
    o_ref[0, 0] = tot * inv_b


def _combine(gs, w2d, B):
    return pl.pallas_call(
        functools.partial(_combine_body, 1.0 / B),
        out_specs=pl.BlockSpec(memory_space=pltpu.SMEM),
        out_shape=jax.ShapeDtypeStruct((1, 1), jnp.float32),
    )(*gs, w2d)


@jax.jit
def kernel(logits, targets, indexes, weight):
    B = logits.shape[0]
    w = _sc_gather(weight.reshape(-1), indexes)
    lgt = pltpu.with_memory_space_constraint(logits.T, pltpu.MemorySpace.HBM)
    gs = _tc_dense(lgt, targets.reshape(1, B))
    out = _combine(gs, w.reshape(1, B), B)
    return out[0, 0]

# --- scband reference (transcript-rebuilt; emitter-appended) ---
"""Pipeline reference for scband-gceloss-42889543417897 (READ-ONLY COPY).

The authoritative reference and input builder live on the scoring server;
editing this copy changes nothing except your own understanding.
"""

import jax, jax.numpy as jnp
import numpy as np

Q = 0.7
K = 0.5
TRAINSET_SIZE = 50000
B = 4096
C = 1000


def setup_inputs(seed: int = 0) -> dict:
    key = jax.random.key(seed)
    k1, k2, k3 = jax.random.split(key, 3)
    logits = jax.random.normal(k1, (B, C), dtype=jnp.float32)
    targets = jax.random.randint(k2, (B,), 0, C, dtype=jnp.int32)
    indexes = jax.random.randint(k3, (B,), 0, TRAINSET_SIZE, dtype=jnp.int32)
    # non-trainable per-sample weight buffer, initialized to ones as in torch __init__
    weight = jnp.ones((TRAINSET_SIZE, 1), dtype=jnp.float32)
    return {"logits": logits, "targets": targets, "indexes": indexes, "weight": weight}


def reference(logits, targets, indexes, weight):
    b = logits.shape[0]
    p = jax.nn.softmax(logits, axis=-1)
    Yg = p[jnp.arange(b), targets][:, None]
    w = jnp.take(weight, indexes, axis=0)  # [B, 1]
    loss = (1.0 - Yg ** Q) / Q * w - (1.0 - K ** Q) / Q * w
    return loss.mean()

if __name__ == "__main__":
    import jax
    _d = setup_inputs()
    print(jax.jit(kernel)(*tuple(_d.values())))

</pallas_src>

<mosaic_0001>
#map = affine_map<(d0, d1) -> (0)>
module attributes {stable_mosaic.version = 14 : i64} {
  func.func @k(%arg0: i32, %arg1: i32, %arg2: memref<50000xf32, #tpu.memory_space<hbm>>, %arg3: memref<4096xi32, #tpu.memory_space<hbm>>, %arg4: memref<4096xf32, #tpu.memory_space<hbm>>, %arg5: memref<128xi32, #tpu.memory_space<vmem>>, %arg6: memref<128xf32, #tpu.memory_space<vmem>>, %arg7: memref<!tpu.dma_semaphore, #tpu.memory_space<semaphore_mem>>) attributes {dimension_semantics = [#tpu.dimension_semantics<core_parallel>, #tpu.dimension_semantics<subcore_parallel>], iteration_bounds = array<i64: 2, 16>, scalar_prefetch = 0 : i64, scratch_operands = 3 : i64, tpu.core_type = #tpu.core_type<sc_vector_subcore>, window_params = [{transform_indices = #map}, {transform_indices = #map}, {transform_indices = #map}]} {
    %mul3A = arith.constant 2 : i32
    %mul3A_0 = arith.muli %arg1, %mul3A : i32
    %add3A = arith.addi %mul3A_0, %arg0 : i32
    %mul3A_1 = arith.constant 128 : i32
    %mul3A_2 = arith.muli %add3A, %mul3A_1 : i32
    "tpu.region"() ({
      %run_scoped3A = tpu.sem_alloc : memref<!tpu.dma_semaphore, #tpu.memory_space<semaphore_mem>>
      %dma_start3A_5 = tpu.memref_slice %arg3[%mul3A_2] : memref<4096xi32, #tpu.memory_space<hbm>> -> memref<128xi32, #tpu.memory_space<hbm>>
      %dma_start3A_6 = tpu.memref_slice %arg3[%mul3A_2] : memref<4096xi32, #tpu.memory_space<hbm>> -> memref<128xi32, #tpu.memory_space<hbm>>
      tpu.enqueue_dma source(%dma_start3A_6 : memref<128xi32, #tpu.memory_space<hbm>>) target(%arg5 : memref<128xi32, #tpu.memory_space<vmem>>) target_semaphore(%run_scoped3A : memref<!tpu.dma_semaphore, #tpu.memory_space<semaphore_mem>>)
      %dma_wait3A_7 = tpu.memref_slice %arg3[%mul3A_2] : memref<4096xi32, #tpu.memory_space<hbm>> -> memref<128xi32, #tpu.memory_space<hbm>>
      %dma_wait3A_8 = tpu.memref_slice %arg3[%mul3A_2] : memref<4096xi32, #tpu.memory_space<hbm>> -> memref<128xi32, #tpu.memory_space<hbm>>
      tpu.wait_dma2 semaphore(%run_scoped3A : memref<!tpu.dma_semaphore, #tpu.memory_space<semaphore_mem>>) src(%dma_wait3A_8 : memref<128xi32, #tpu.memory_space<hbm>>) dst(%arg5 : memref<128xi32, #tpu.memory_space<vmem>>)
      tpu.yield
    }) : () -> ()
    %dma_start3A = arith.constant 0 : i32
    %dma_start3A_3 = tpu.memref_slice %arg2[%dma_start3A] : memref<50000xf32, #tpu.memory_space<hbm>> -> memref<50000xf32, #tpu.memory_space<hbm>>
    tpu.enqueue_indirect_dma source(%dma_start3A_3 : memref<50000xf32, #tpu.memory_space<hbm>>) target(%arg6 : memref<128xf32, #tpu.memory_space<vmem>>) offsets(%arg5 : memref<128xi32, #tpu.memory_space<vmem>>) semaphore(%arg7 : memref<!tpu.dma_semaphore, #tpu.memory_space<semaphore_mem>>)
    %dma_wait3A = arith.constant 0 : i32
    %dma_wait3A_4 = tpu.memref_slice %arg2[%dma_wait3A] : memref<50000xf32, #tpu.memory_space<hbm>> -> memref<50000xf32, #tpu.memory_space<hbm>>
    tpu.wait_indirect_dma semaphore(%arg7 : memref<!tpu.dma_semaphore, #tpu.memory_space<semaphore_mem>>) src(%dma_wait3A_4 : memref<50000xf32, #tpu.memory_space<hbm>>) dst(%arg6 : memref<128xf32, #tpu.memory_space<vmem>>)
    "tpu.region"() ({
      %run_scoped3A = tpu.sem_alloc : memref<!tpu.dma_semaphore, #tpu.memory_space<semaphore_mem>>
      %dma_start3A_5 = tpu.memref_slice %arg4[%mul3A_2] : memref<4096xf32, #tpu.memory_space<hbm>> -> memref<128xf32, #tpu.memory_space<hbm>>
      %dma_start3A_6 = tpu.memref_slice %arg4[%mul3A_2] : memref<4096xf32, #tpu.memory_space<hbm>> -> memref<128xf32, #tpu.memory_space<hbm>>
      tpu.enqueue_dma source(%arg6 : memref<128xf32, #tpu.memory_space<vmem>>) target(%dma_start3A_6 : memref<128xf32, #tpu.memory_space<hbm>>) target_semaphore(%run_scoped3A : memref<!tpu.dma_semaphore, #tpu.memory_space<semaphore_mem>>)
      %dma_wait3A_7 = tpu.memref_slice %arg4[%mul3A_2] : memref<4096xf32, #tpu.memory_space<hbm>> -> memref<128xf32, #tpu.memory_space<hbm>>
      %dma_wait3A_8 = tpu.memref_slice %arg4[%mul3A_2] : memref<4096xf32, #tpu.memory_space<hbm>> -> memref<128xf32, #tpu.memory_space<hbm>>
      tpu.wait_dma2 semaphore(%run_scoped3A : memref<!tpu.dma_semaphore, #tpu.memory_space<semaphore_mem>>) src(%arg6 : memref<128xf32, #tpu.memory_space<vmem>>) dst(%dma_wait3A_8 : memref<128xf32, #tpu.memory_space<hbm>>)
      tpu.yield
    }) : () -> ()
    return
  }
}

module attributes {stable_mosaic.version = 14 : i64} {
  func.func @_tc_dense_body(%arg0: i32, %arg1: memref<1000x512xf32, #tpu.memory_space<vmem>>, %arg2: memref<1000x512xf32, #tpu.memory_space<vmem>>, %arg3: memref<1000x512xf32, #tpu.memory_space<vmem>>, %arg4: memref<1000x512xf32, #tpu.memory_space<vmem>>, %arg5: memref<1x512xi32, #tpu.memory_space<vmem>>, %arg6: memref<1x512xi32, #tpu.memory_space<vmem>>, %arg7: memref<1x512xi32, #tpu.memory_space<vmem>>, %arg8: memref<1x512xi32, #tpu.memory_space<vmem>>, %arg9: memref<1x512xf32, #tpu.memory_space<vmem>>, %arg10: memref<1x512xf32, #tpu.memory_space<vmem>>, %arg11: memref<1x512xf32, #tpu.memory_space<vmem>>, %arg12: memref<1x512xf32, #tpu.memory_space<vmem>>) attributes {dimension_semantics = [#tpu.dimension_semantics<arbitrary>], iteration_bounds = array<i64: 2>, scalar_prefetch = 0 : i64, scratch_operands = 0 : i64, tpu.core_type = #tpu.core_type<tc>, window_params = [{transform_indices = @transform_0, window_bounds = array<i64: 1000, 512>}, {transform_indices = @transform_1, window_bounds = array<i64: 1000, 512>}, {transform_indices = @transform_2, window_bounds = array<i64: 1000, 512>}, {transform_indices = @transform_3, window_bounds = array<i64: 1000, 512>}, {transform_indices = @transform_4, window_bounds = array<i64: 1, 512>}, {transform_indices = @transform_5, window_bounds = array<i64: 1, 512>}, {transform_indices = @transform_6, window_bounds = array<i64: 1, 512>}, {transform_indices = @transform_7, window_bounds = array<i64: 1, 512>}, {transform_indices = @transform_8, window_bounds = array<i64: 1, 512>}, {transform_indices = @transform_9, window_bounds = array<i64: 1, 512>}, {transform_indices = @transform_10, window_bounds = array<i64: 1, 512>}, {transform_indices = @transform_11, window_bounds = array<i64: 1, 512>}]} {
    %get3A = arith.constant 0 : index
    %get3A_0 = arith.constant 0 : index
    %get3A_1 = vector.load %arg1[%get3A, %get3A_0] : memref<1000x512xf32, #tpu.memory_space<vmem>>, vector<1000x512xf32>
    %get3A_2 = arith.constant 0 : index
    %get3A_3 = arith.constant 0 : index
    %get3A_4 = vector.load %arg5[%get3A_2, %get3A_3] : memref<1x512xi32, #tpu.memory_space<vmem>>, vector<1x512xi32>
    %reduce_max3A = arith.constant dense<0xFF800000> : vector<512xf32>
    %reduce_max3A_5 = vector.multi_reduction <maximumf>, %get3A_1, %reduce_max3A [0] : vector<1000x512xf32> to vector<512xf32>
    %broadcast_in_dim3A = vector.shape_cast %reduce_max3A_5 : vector<512xf32> to vector<1x512xf32>
    %sub3A = vector.broadcast %broadcast_in_dim3A : vector<1x512xf32> to vector<1000x512xf32>
    %sub3A_6 = arith.subf %get3A_1, %sub3A : vector<1000x512xf32>
    %exp3A = math.exp %sub3A_6 : vector<1000x512xf32>
    %reduce_sum3A = arith.constant dense<0.000000e+00> : vector<512xf32>
    %reduce_sum3A_7 = vector.multi_reduction <add>, %exp3A, %reduce_sum3A [0] : vector<1000x512xf32> to vector<512xf32>
    %broadcast_in_dim3A_8 = vector.shape_cast %reduce_sum3A_7 : vector<512xf32> to vector<1x512xf32>
    %iota3A = tpu.iota {dimensions = array<i32: 0>} : vector<1000x512xi32>
    %eq3A = vector.broadcast %get3A_4 : vector<1x512xi32> to vector<1000x512xi32>
    %eq3A_9 = arith.cmpi eq, %iota3A, %eq3A : vector<1000x512xi32>
    %jit3A = arith.constant 0.000000e+00 : f32
    %broadcast_in_dim3A_10 = vector.broadcast %jit3A : f32 to vector<1000x512xf32>
    %select_n3A = arith.select %eq3A_9, %get3A_1, %broadcast_in_dim3A_10 : vector<1000x512xi1>, vector<1000x512xf32>
    %reduce_sum3A_11 = arith.constant dense<0.000000e+00> : vector<512xf32>
    %reduce_sum3A_12 = vector.multi_reduction <add>, %select_n3A, %reduce_sum3A_11 [0] : vector<1000x512xf32> to vector<512xf32>
    %broadcast_in_dim3A_13 = vector.shape_cast %reduce_sum3A_12 : vector<512xf32> to vector<1x512xf32>
    %sub3A_14 = arith.subf %broadcast_in_dim3A_13, %broadcast_in_dim3A : vector<1x512xf32>
    %log3A = math.log %broadcast_in_dim3A_8 : vector<1x512xf32>
    %sub3A_15 = arith.subf %sub3A_14, %log3A : vector<1x512xf32>
    %mul3A = arith.constant 0.699999988 : f32
    %mul3A_16 = vector.broadcast %mul3A : f32 to vector<1x512xf32>
    %mul3A_17 = arith.mulf %mul3A_16, %sub3A_15 : vector<1x512xf32>
    %exp3A_18 = math.exp %mul3A_17 : vector<1x512xf32>
    %sub3A_19 = arith.constant 1.000000e+00 : f32
    %sub3A_20 = vector.broadcast %sub3A_19 : f32 to vector<1x512xf32>
    %sub3A_21 = arith.subf %sub3A_20, %exp3A_18 : vector<1x512xf32>
    %div3A = arith.constant 0.699999988 : f32
    %div3A_22 = vector.broadcast %div3A : f32 to vector<1x512xf32>
    %div3A_23 = arith.divf %sub3A_21, %div3A_22 : vector<1x512xf32>
    %sub3A_24 = arith.constant 0.549182534 : f32
    %sub3A_25 = vector.broadcast %sub3A_24 : f32 to vector<1x512xf32>
    %sub3A_26 = arith.subf %div3A_23, %sub3A_25 : vector<1x512xf32>
    %swap3A = arith.constant 0 : index
    %swap3A_27 = arith.constant 0 : index
    %swap3A_28 = vector.load %arg9[%swap3A, %swap3A_27] : memref<1x512xf32, #tpu.memory_space<vmem>>, vector<1x512xf32>
    tpu.vector_store %arg9[%swap3A, %swap3A_27], %sub3A_26 {strides = array<i32>} : memref<1x512xf32, #tpu.memory_space<vmem>>, vector<1x512xf32>,
    %get3A_29 = arith.constant 0 : index
    %get3A_30 = arith.constant 0 : index
    %get3A_31 = vector.load %arg2[%get3A_29, %get3A_30] : memref<1000x512xf32, #tpu.memory_space<vmem>>, vector<1000x512xf32>
    %get3A_32 = arith.constant 0 : index
    %get3A_33 = arith.constant 0 : index
    %get3A_34 = vector.load %arg6[%get3A_32, %get3A_33] : memref<1x512xi32, #tpu.memory_space<vmem>>, vector<1x512xi32>
    %reduce_max3A_35 = arith.constant dense<0xFF800000> : vector<512xf32>
    %reduce_max3A_36 = vector.multi_reduction <maximumf>, %get3A_31, %reduce_max3A_35 [0] : vector<1000x512xf32> to vector<512xf32>
    %broadcast_in_dim3A_37 = vector.shape_cast %reduce_max3A_36 : vector<512xf32> to vector<1x512xf32>
    %sub3A_38 = vector.broadcast %broadcast_in_dim3A_37 : vector<1x512xf32> to vector<1000x512xf32>
    %sub3A_39 = arith.subf %get3A_31, %sub3A_38 : vector<1000x512xf32>
    %exp3A_40 = math.exp %sub3A_39 : vector<1000x512xf32>
    %reduce_sum3A_41 = arith.constant dense<0.000000e+00> : vector<512xf32>
    %reduce_sum3A_42 = vector.multi_reduction <add>, %exp3A_40, %reduce_sum3A_41 [0] : vector<1000x512xf32> to vector<512xf32>
    %broadcast_in_dim3A_43 = vector.shape_cast %reduce_sum3A_42 : vector<512xf32> to vector<1x512xf32>
    %iota3A_44 = tpu.iota {dimensions = array<i32: 0>} : vector<1000x512xi32>
    %eq3A_45 = vector.broadcast %get3A_34 : vector<1x512xi32> to vector<1000x512xi32>
    %eq3A_46 = arith.cmpi eq, %iota3A_44, %eq3A_45 : vector<1000x512xi32>
    %jit3A_47 = arith.constant 0.000000e+00 : f32
    %broadcast_in_dim3A_48 = vector.broadcast %jit3A_47 : f32 to vector<1000x512xf32>
    %select_n3A_49 = arith.select %eq3A_46, %get3A_31, %broadcast_in_dim3A_48 : vector<1000x512xi1>, vector<1000x512xf32>
    %reduce_sum3A_50 = arith.constant dense<0.000000e+00> : vector<512xf32>
    %reduce_sum3A_51 = vector.multi_reduction <add>, %select_n3A_49, %reduce_sum3A_50 [0] : vector<1000x512xf32> to vector<512xf32>
    %broadcast_in_dim3A_52 = vector.shape_cast %reduce_sum3A_51 : vector<512xf32> to vector<1x512xf32>
    %sub3A_53 = arith.subf %broadcast_in_dim3A_52, %broadcast_in_dim3A_37 : vector<1x512xf32>
    %log3A_54 = math.log %broadcast_in_dim3A_43 : vector<1x512xf32>
    %sub3A_55 = arith.subf %sub3A_53, %log3A_54 : vector<1x512xf32>
    %mul3A_56 = arith.constant 0.699999988 : f32
    %mul3A_57 = vector.broadcast %mul3A_56 : f32 to vector<1x512xf32>
    %mul3A_58 = arith.mulf %mul3A_57, %sub3A_55 : vector<1x512xf32>
    %exp3A_59 = math.exp %mul3A_58 : vector<1x512xf32>
    %sub3A_60 = arith.constant 1.000000e+00 : f32
    %sub3A_61 = vector.broadcast %sub3A_60 : f32 to vector<1x512xf32>
    %sub3A_62 = arith.subf %sub3A_61, %exp3A_59 : vector<1x512xf32>
    %div3A_63 = arith.constant 0.699999988 : f32
    %div3A_64 = vector.broadcast %div3A_63 : f32 to vector<1x512xf32>
    %div3A_65 = arith.divf %sub3A_62, %div3A_64 : vector<1x512xf32>
    %sub3A_66 = arith.constant 0.549182534 : f32
    %sub3A_67 = vector.broadcast %sub3A_66 : f32 to vector<1x512xf32>
    %sub3A_68 = arith.subf %div3A_65, %sub3A_67 : vector<1x512xf32>
    %swap3A_69 = arith.constant 0 : index
    %swap3A_70 = arith.constant 0 : index
    %swap3A_71 = vector.load %arg10[%swap3A_69, %swap3A_70] : memref<1x512xf32, #tpu.memory_space<vmem>>, vector<1x512xf32>
    tpu.vector_store %arg10[%swap3A_69, %swap3A_70], %sub3A_68 {strides = array<i32>} : memref<1x512xf32, #tpu.memory_space<vmem>>, vector<1x512xf32>,
    %get3A_72 = arith.constant 0 : index
    %get3A_73 = arith.constant 0 : index
    %get3A_74 = vector.load %arg3[%get3A_72, %get3A_73] : memref<1000x512xf32, #tpu.memory_space<vmem>>, vector<1000x512xf32>
    %get3A_75 = arith.constant 0 : index
    %get3A_76 = arith.constant 0 : index
    %get3A_77 = vector.load %arg7[%get3A_75, %get3A_76] : memref<1x512xi32, #tpu.memory_space<vmem>>, vector<1x512xi32>
    %reduce_max3A_78 = arith.constant dense<0xFF800000> : vector<512xf32>
    %reduce_max3A_79 = vector.multi_reduction <maximumf>, %get3A_74, %reduce_max3A_78 [0] : vector<1000x512xf32> to vector<512xf32>
    %broadcast_in_dim3A_80 = vector.shape_cast %reduce_max3A_79 : vector<512xf32> to vector<1x512xf32>
    %sub3A_81 = vector.broadcast %broadcast_in_dim3A_80 : vector<1x512xf32> to vector<1000x512xf32>
    %sub3A_82 = arith.subf %get3A_74, %sub3A_81 : vector<1000x512xf32>
    %exp3A_83 = math.exp %sub3A_82 : vector<1000x512xf32>
    %reduce_sum3A_84 = arith.constant dense<0.000000e+00> : vector<512xf32>
    %reduce_sum3A_85 = vector.multi_reduction <add>, %exp3A_83, %reduce_sum3A_84 [0] : vector<1000x512xf32> to vector<512xf32>
    %broadcast_in_dim3A_86 = vector.shape_cast %reduce_sum3A_85 : vector<512xf32> to vector<1x512xf32>
    %iota3A_87 = tpu.iota {dimensions = array<i32: 0>} : vector<1000x512xi32>
    %eq3A_88 = vector.broadcast %get3A_77 : vector<1x512xi32> to vector<1000x512xi32>
    %eq3A_89 = arith.cmpi eq, %iota3A_87, %eq3A_88 : vector<1000x512xi32>
    %jit3A_90 = arith.constant 0.000000e+00 : f32
    %broadcast_in_dim3A_91 = vector.broadcast %jit3A_90 : f32 to vector<1000x512xf32>
    %select_n3A_92 = arith.select %eq3A_89, %get3A_74, %broadcast_in_dim3A_91 : vector<1000x512xi1>, vector<1000x512xf32>
    %reduce_sum3A_93 = arith.constant dense<0.000000e+00> : vector<512xf32>
    %reduce_sum3A_94 = vector.multi_reduction <add>, %select_n3A_92, %reduce_sum3A_93 [0] : vector<1000x512xf32> to vector<512xf32>
    %broadcast_in_dim3A_95 = vector.shape_cast %reduce_sum3A_94 : vector<512xf32> to vector<1x512xf32>
    %sub3A_96 = arith.subf %broadcast_in_dim3A_95, %broadcast_in_dim3A_80 : vector<1x512xf32>
    %log3A_97 = math.log %broadcast_in_dim3A_86 : vector<1x512xf32>
    %sub3A_98 = arith.subf %sub3A_96, %log3A_97 : vector<1x512xf32>
    %mul3A_99 = arith.constant 0.699999988 : f32
    %mul3A_100 = vector.broadcast %mul3A_99 : f32 to vector<1x512xf32>
    %mul3A_101 = arith.mulf %mul3A_100, %sub3A_98 : vector<1x512xf32>
    %exp3A_102 = math.exp %mul3A_101 : vector<1x512xf32>
    %sub3A_103 = arith.constant 1.000000e+00 : f32
    %sub3A_104 = vector.broadcast %sub3A_103 : f32 to vector<1x512xf32>
    %sub3A_105 = arith.subf %sub3A_104, %exp3A_102 : vector<1x512xf32>
    %div3A_106 = arith.constant 0.699999988 : f32
    %div3A_107 = vector.broadcast %div3A_106 : f32 to vector<1x512xf32>
    %div3A_108 = arith.divf %sub3A_105, %div3A_107 : vector<1x512xf32>
    %sub3A_109 = arith.constant 0.549182534 : f32
    %sub3A_110 = vector.broadcast %sub3A_109 : f32 to vector<1x512xf32>
    %sub3A_111 = arith.subf %div3A_108, %sub3A_110 : vector<1x512xf32>
    %swap3A_112 = arith.constant 0 : index
    %swap3A_113 = arith.constant 0 : index
    %swap3A_114 = vector.load %arg11[%swap3A_112, %swap3A_113] : memref<1x512xf32, #tpu.memory_space<vmem>>, vector<1x512xf32>
    tpu.vector_store %arg11[%swap3A_112, %swap3A_113], %sub3A_111 {strides = array<i32>} : memref<1x512xf32, #tpu.memory_space<vmem>>, vector<1x512xf32>,
    %get3A_115 = arith.constant 0 : index
    %get3A_116 = arith.constant 0 : index
    %get3A_117 = vector.load %arg4[%get3A_115, %get3A_116] : memref<1000x512xf32, #tpu.memory_space<vmem>>, vector<1000x512xf32>
    %get3A_118 = arith.constant 0 : index
    %get3A_119 = arith.constant 0 : index
    %get3A_120 = vector.load %arg8[%get3A_118, %get3A_119] : memref<1x512xi32, #tpu.memory_space<vmem>>, vector<1x512xi32>
    %reduce_max3A_121 = arith.constant dense<0xFF800000> : vector<512xf32>
    %reduce_max3A_122 = vector.multi_reduction <maximumf>, %get3A_117, %reduce_max3A_121 [0] : vector<1000x512xf32> to vector<512xf32>
    %broadcast_in_dim3A_123 = vector.shape_cast %reduce_max3A_122 : vector<512xf32> to vector<1x512xf32>
    %sub3A_124 = vector.broadcast %broadcast_in_dim3A_123 : vector<1x512xf32> to vector<1000x512xf32>
    %sub3A_125 = arith.subf %get3A_117, %sub3A_124 : vector<1000x512xf32>
    %exp3A_126 = math.exp %sub3A_125 : vector<1000x512xf32>
    %reduce_sum3A_127 = arith.constant dense<0.000000e+00> : vector<512xf32>
    %reduce_sum3A_128 = vector.multi_reduction <add>, %exp3A_126, %reduce_sum3A_127 [0] : vector<1000x512xf32> to vector<512xf32>
    %broadcast_in_dim3A_129 = vector.shape_cast %reduce_sum3A_128 : vector<512xf32> to vector<1x512xf32>
    %iota3A_130 = tpu.iota {dimensions = array<i32: 0>} : vector<1000x512xi32>
    %eq3A_131 = vector.broadcast %get3A_120 : vector<1x512xi32> to vector<1000x512xi32>
    %eq3A_132 = arith.cmpi eq, %iota3A_130, %eq3A_131 : vector<1000x512xi32>
    %jit3A_133 = arith.constant 0.000000e+00 : f32
    %broadcast_in_dim3A_134 = vector.broadcast %jit3A_133 : f32 to vector<1000x512xf32>
    %select_n3A_135 = arith.select %eq3A_132, %get3A_117, %broadcast_in_dim3A_134 : vector<1000x512xi1>, vector<1000x512xf32>
    %reduce_sum3A_136 = arith.constant dense<0.000000e+00> : vector<512xf32>
    %reduce_sum3A_137 = vector.multi_reduction <add>, %select_n3A_135, %reduce_sum3A_136 [0] : vector<1000x512xf32> to vector<512xf32>
    %broadcast_in_dim3A_138 = vector.shape_cast %reduce_sum3A_137 : vector<512xf32> to vector<1x512xf32>
    %sub3A_139 = arith.subf %broadcast_in_dim3A_138, %broadcast_in_dim3A_123 : vector<1x512xf32>
    %log3A_140 = math.log %broadcast_in_dim3A_129 : vector<1x512xf32>
    %sub3A_141 = arith.subf %sub3A_139, %log3A_140 : vector<1x512xf32>
    %mul3A_142 = arith.constant 0.699999988 : f32
    %mul3A_143 = vector.broadcast %mul3A_142 : f32 to vector<1x512xf32>
    %mul3A_144 = arith.mulf %mul3A_143, %sub3A_141 : vector<1x512xf32>
    %exp3A_145 = math.exp %mul3A_144 : vector<1x512xf32>
    %sub3A_146 = arith.constant 1.000000e+00 : f32
    %sub3A_147 = vector.broadcast %sub3A_146 : f32 to vector<1x512xf32>
    %sub3A_148 = arith.subf %sub3A_147, %exp3A_145 : vector<1x512xf32>
    %div3A_149 = arith.constant 0.699999988 : f32
    %div3A_150 = vector.broadcast %div3A_149 : f32 to vector<1x512xf32>
    %div3A_151 = arith.divf %sub3A_148, %div3A_150 : vector<1x512xf32>
    %sub3A_152 = arith.constant 0.549182534 : f32
    %sub3A_153 = vector.broadcast %sub3A_152 : f32 to vector<1x512xf32>
    %sub3A_154 = arith.subf %div3A_151, %sub3A_153 : vector<1x512xf32>
    %swap3A_155 = arith.constant 0 : index
    %swap3A_156 = arith.constant 0 : index
    %swap3A_157 = vector.load %arg12[%swap3A_155, %swap3A_156] : memref<1x512xf32, #tpu.memory_space<vmem>>, vector<1x512xf32>
    tpu.vector_store %arg12[%swap3A_155, %swap3A_156], %sub3A_154 {strides = array<i32>} : memref<1x512xf32, #tpu.memory_space<vmem>>, vector<1x512xf32>,
    return
  }
  func.func @transform_0(%arg0: i32) -> (i32, i32) {
    %add3A = arith.constant 0 : i32
    %add3A_0 = arith.addi %arg0, %add3A : i32
    %c0_i32 = arith.constant 0 : i32
    %c0_i32_1 = arith.constant 0 : i32
    return %c0_i32, %add3A_0 : i32, i32
  }
  func.func @transform_1(%arg0: i32) -> (i32, i32) {
    %add3A = arith.constant 2 : i32
    %add3A_0 = arith.addi %arg0, %add3A : i32
    %c0_i32 = arith.constant 0 : i32
    %c0_i32_1 = arith.constant 0 : i32
    return %c0_i32, %add3A_0 : i32, i32
  }
  func.func @transform_2(%arg0: i32) -> (i32, i32) {
    %add3A = arith.constant 4 : i32
    %add3A_0 = arith.addi %arg0, %add3A : i32
    %c0_i32 = arith.constant 0 : i32
    %c0_i32_1 = arith.constant 0 : i32
    return %c0_i32, %add3A_0 : i32, i32
  }
  func.func @transform_3(%arg0: i32) -> (i32, i32) {
    %add3A = arith.constant 6 : i32
    %add3A_0 = arith.addi %arg0, %add3A : i32
    %c0_i32 = arith.constant 0 : i32
    %c0_i32_1 = arith.constant 0 : i32
    return %c0_i32, %add3A_0 : i32, i32
  }
  func.func @transform_4(%arg0: i32) -> (i32, i32) {
    %add3A = arith.constant 0 : i32
    %add3A_0 = arith.addi %arg0, %add3A : i32
    %c0_i32 = arith.constant 0 : i32
    %c0_i32_1 = arith.constant 0 : i32
    return %c0_i32, %add3A_0 : i32, i32
  }
  func.func @transform_5(%arg0: i32) -> (i32, i32) {
    %add3A = arith.constant 2 : i32
    %add3A_0 = arith.addi %arg0, %add3A : i32
    %c0_i32 = arith.constant 0 : i32
    %c0_i32_1 = arith.constant 0 : i32
    return %c0_i32, %add3A_0 : i32, i32
  }
  func.func @transform_6(%arg0: i32) -> (i32, i32) {
    %add3A = arith.constant 4 : i32
    %add3A_0 = arith.addi %arg0, %add3A : i32
    %c0_i32 = arith.constant 0 : i32
    %c0_i32_1 = arith.constant 0 : i32
    return %c0_i32, %add3A_0 : i32, i32
  }
  func.func @transform_7(%arg0: i32) -> (i32, i32) {
    %add3A = arith.constant 6 : i32
    %add3A_0 = arith.addi %arg0, %add3A : i32
    %c0_i32 = arith.constant 0 : i32
    %c0_i32_1 = arith.constant 0 : i32
    return %c0_i32, %add3A_0 : i32, i32
  }
  func.func @transform_8(%arg0: i32) -> (i32, i32) {
    %c0_i32 = arith.constant 0 : i32
    %c0_i32_0 = arith.constant 0 : i32
    return %c0_i32, %arg0 : i32, i32
  }
  func.func @transform_9(%arg0: i32) -> (i32, i32) {
    %c0_i32 = arith.constant 0 : i32
    %c0_i32_0 = arith.constant 0 : i32
    return %c0_i32, %arg0 : i32, i32
  }
  func.func @transform_10(%arg0: i32) -> (i32, i32) {
    %c0_i32 = arith.constant 0 : i32
    %c0_i32_0 = arith.constant 0 : i32
    return %c0_i32, %arg0 : i32, i32
  }
  func.func @transform_11(%arg0: i32) -> (i32, i32) {
    %c0_i32 = arith.constant 0 : i32
    %c0_i32_0 = arith.constant 0 : i32
    return %c0_i32, %arg0 : i32, i32
  }
}

module attributes {stable_mosaic.version = 14 : i64} {
  func.func @_combine_body(%arg0: memref<1x1024xf32, #tpu.memory_space<vmem>>, %arg1: memref<1x1024xf32, #tpu.memory_space<vmem>>, %arg2: memref<1x1024xf32, #tpu.memory_space<vmem>>, %arg3: memref<1x1024xf32, #tpu.memory_space<vmem>>, %arg4: memref<1x4096xf32, #tpu.memory_space<vmem>>, %arg5: memref<1x1xf32, #tpu.memory_space<smem>>) attributes {dimension_semantics = [], scalar_prefetch = 0 : i64, scratch_operands = 0 : i64, tpu.core_type = #tpu.core_type<tc>} {
    %get3A = arith.constant 0 : index
    %get3A_0 = arith.constant 0 : index
    %get3A_1 = vector.load %arg0[%get3A, %get3A_0] : memref<1x1024xf32, #tpu.memory_space<vmem>>, vector<1x1024xf32>
    %get3A_2 = arith.constant 0 : index
    %get3A_3 = arith.constant 0 : index
    %get3A_4 = vector.load %arg4[%get3A_2, %get3A_3] : memref<1x4096xf32, #tpu.memory_space<vmem>>, vector<1x1024xf32>
    %mul3A = arith.mulf %get3A_1, %get3A_4 : vector<1x1024xf32>
    %reduce_sum3A = vector.shape_cast %mul3A : vector<1x1024xf32> to vector<1x1x1024xf32>
    %reduce_sum3A_5 = arith.constant dense<0.000000e+00> : vector<1xf32>
    %reduce_sum3A_6 = vector.multi_reduction <add>, %reduce_sum3A, %reduce_sum3A_5 [1, 2] : vector<1x1x1024xf32> to vector<1xf32>
    %reduce_sum3A_7 = vector.shape_cast %reduce_sum3A_6 : vector<1xf32> to vector<1x1x1xf32>
    %reduce_sum3A_8 = vector.extract %reduce_sum3A_7[0, 0, 0] : f32 from vector<1x1x1xf32>
    %get3A_9 = arith.constant 0 : index
    %get3A_10 = arith.constant 0 : index
    %get3A_11 = vector.load %arg1[%get3A_9, %get3A_10] : memref<1x1024xf32, #tpu.memory_space<vmem>>, vector<1x1024xf32>
    %get3A_12 = arith.constant 0 : index
    %get3A_13 = arith.constant 1024 : index
    %get3A_14 = vector.load %arg4[%get3A_12, %get3A_13] : memref<1x4096xf32, #tpu.memory_space<vmem>>, vector<1x1024xf32>
    %mul3A_15 = arith.mulf %get3A_11, %get3A_14 : vector<1x1024xf32>
    %reduce_sum3A_16 = vector.shape_cast %mul3A_15 : vector<1x1024xf32> to vector<1x1x1024xf32>
    %reduce_sum3A_17 = arith.constant dense<0.000000e+00> : vector<1xf32>
    %reduce_sum3A_18 = vector.multi_reduction <add>, %reduce_sum3A_16, %reduce_sum3A_17 [1, 2] : vector<1x1x1024xf32> to vector<1xf32>
    %reduce_sum3A_19 = vector.shape_cast %reduce_sum3A_18 : vector<1xf32> to vector<1x1x1xf32>
    %reduce_sum3A_20 = vector.extract %reduce_sum3A_19[0, 0, 0] : f32 from vector<1x1x1xf32>
    %add3A = arith.addf %reduce_sum3A_8, %reduce_sum3A_20 : f32
    %get3A_21 = arith.constant 0 : index
    %get3A_22 = arith.constant 0 : index
    %get3A_23 = vector.load %arg2[%get3A_21, %get3A_22] : memref<1x1024xf32, #tpu.memory_space<vmem>>, vector<1x1024xf32>
    %get3A_24 = arith.constant 0 : index
    %get3A_25 = arith.constant 2048 : index
    %get3A_26 = vector.load %arg4[%get3A_24, %get3A_25] : memref<1x4096xf32, #tpu.memory_space<vmem>>, vector<1x1024xf32>
    %mul3A_27 = arith.mulf %get3A_23, %get3A_26 : vector<1x1024xf32>
    %reduce_sum3A_28 = vector.shape_cast %mul3A_27 : vector<1x1024xf32> to vector<1x1x1024xf32>
    %reduce_sum3A_29 = arith.constant dense<0.000000e+00> : vector<1xf32>
    %reduce_sum3A_30 = vector.multi_reduction <add>, %reduce_sum3A_28, %reduce_sum3A_29 [1, 2] : vector<1x1x1024xf32> to vector<1xf32>
    %reduce_sum3A_31 = vector.shape_cast %reduce_sum3A_30 : vector<1xf32> to vector<1x1x1xf32>
    %reduce_sum3A_32 = vector.extract %reduce_sum3A_31[0, 0, 0] : f32 from vector<1x1x1xf32>
    %add3A_33 = arith.addf %add3A, %reduce_sum3A_32 : f32
    %get3A_34 = arith.constant 0 : index
    %get3A_35 = arith.constant 0 : index
    %get3A_36 = vector.load %arg3[%get3A_34, %get3A_35] : memref<1x1024xf32, #tpu.memory_space<vmem>>, vector<1x1024xf32>
    %get3A_37 = arith.constant 0 : index
    %get3A_38 = arith.constant 3072 : index
    %get3A_39 = vector.load %arg4[%get3A_37, %get3A_38] : memref<1x4096xf32, #tpu.memory_space<vmem>>, vector<1x1024xf32>
    %mul3A_40 = arith.mulf %get3A_36, %get3A_39 : vector<1x1024xf32>
    %reduce_sum3A_41 = vector.shape_cast %mul3A_40 : vector<1x1024xf32> to vector<1x1x1024xf32>
    %reduce_sum3A_42 = arith.constant dense<0.000000e+00> : vector<1xf32>
    %reduce_sum3A_43 = vector.multi_reduction <add>, %reduce_sum3A_41, %reduce_sum3A_42 [1, 2] : vector<1x1x1024xf32> to vector<1xf32>
    %reduce_sum3A_44 = vector.shape_cast %reduce_sum3A_43 : vector<1xf32> to vector<1x1x1xf32>
    %reduce_sum3A_45 = vector.extract %reduce_sum3A_44[0, 0, 0] : f32 from vector<1x1x1xf32>
    %add3A_46 = arith.addf %add3A_33, %reduce_sum3A_45 : f32
    %mul3A_47 = arith.constant 2.44140625E-4 : f32
    %mul3A_48 = arith.mulf %add3A_46, %mul3A_47 : f32
    %swap3A = arith.constant 0 : index
    %swap3A_49 = arith.constant 0 : index
    %swap3A_50 = memref.load %arg5[%swap3A, %swap3A_49] : memref<1x1xf32, #tpu.memory_space<smem>>
    memref.store %mul3A_48, %arg5[%swap3A, %swap3A_49] : memref<1x1xf32, #tpu.memory_space<smem>>
    return
  }
}

</mosaic_0001>

<sc_bundles>
// kernel: kernel.5.cloned.1.call-start
scs
__scs_entry_jumppad:
0x0: {  	(pc) =	sbr.rel $0x88, $3  }
0x1: {  	(tag) =	ssettag $0x0;
	lr =	simm.s32 $0x1  }
0x2: {  	[smem:$0x3F9D] =	sst lr;
	_ =	strace $0xD0000000  }
0x3: {  	_ = 	snop  }
0x4: {  	_ = 	snop  }
0x5: {  	_ = 	snop  }
0x6: {  	_ = 	snop  }
0x7: {  	_ = 	snop  }
__scs_overlays_trampoline_lowered:
0x8: {  	[smem:$0x3FAC] =	sst s0  }
0x9: {  	[smem:$0x3FAD] =	sst s1  }
0xa: {  	[smem:$0x3FAE] =	sst s2  }
0xb: {  	[smem:$0x3FAF] =	sst s3  }
0xc: {  	[smem:$0x3FB0] =	sst s4  }
0xd: {  	[smem:$0x3FB1] =	sst s5  }
0xe: {  	[smem:$0x3FB2] =	sst s6  }
0xf: {  	[smem:$0x3FB3] =	sst s7  }
0x10: {  	[smem:$0x3FB4] =	sst s8  }
0x11: {  	[smem:$0x3FB5] =	sst s9;
	s0 =	simm.s32 @!p0 $0x0  }
0x12: {  	s1 =	sld [smem:$0x3F9B];
	s0 =	simm.s32 @p0 $0x1  }
0x13: {  	[smem:$0x3FB6] =	sst s0;
	s0 =	simm.s32 @!p1 $0x0  }
0x14: {  	s2 =	sld [smem:$0x3F9A];
	s0 =	simm.s32 @p1 $0x1  }
0x15: {  	[smem:$0x3FB7] =	sst s0;
	s0 =	simm.s32 @!p2 $0x0  }
0x16: {  	s3 =	sld [smem:$0x3FDB];
	s0 =	simm.s32 @p2 $0x1  }
0x17: {  	s4 =	simm.s32 $0x1BF5;
	[smem:$0x3FB9] =	sst s0  }
0x18: {  	s0 =	sld [smem:$0x3F9C];
	_ =	swait.ge [sflag:s4], $0x0  }
0x19: {  	s7 =	sld [smem:$0x3F9D]  }
0x1a: {  	s8 =	sadd.s32 $0xFFFFE003, lr  }
0x1b: {  	s9 =	sadd.s32 $0xFFFFFEF7, lr;
	s5 =	simm.s32 $0xFFFFFFFF;
	p2 =	slt.u32 s8, $0xFFFFF086  }
0x1c: {  	p1 =	slt.u32 s9, $0xF7A;
	s5 =	simm.s32 @!p2 $0x0  }
0x1d: {  	s5 =	simm.s32 @p1 $0x1;
	p0 =	seq.s32 s7, s2  }
0x1e: {  	s7 =	smul.u32 @!p0 $0xF7A, s2;
	p2 =	seq.s32 @!p0 s5, $0x0  }
0x1f: {  	s9 =	smul.u32 $0xF7A, s1;
	s8 =	simm.s32 @!p0 $0x1BF5;
	p2 =	por !p2, p0  }
0x20: {  	[sflag:s8] =	ssyncset.s32 @!p0 $0xFFFFF086;
	s6 =	sadd.s32 @!p0 s3, s7;
	s7 =	simm.s32 @!p0 $0x108  }
0x21: {  	s3 =	sadd.s32 s3, s9;
	s6 =	sadd.s32 @!p0 $0x88, s6;
	s7 =	simm.s32 @p2 $0x1082  }
0x22: {  	[simem:s7], [sflag:s8] =	dma.local @!p0 [hbm:s6], $0xF7A  }
0x23: {  	s9 =	sor.u32 $0xD0000000, s2;
	s6 =	simm.s32 $0x108;
	_ =	swait.ge @!p0 [sflag:s8], $0x0  }
0x24: {  	s3 =	sadd.s32 $0x88, s3;
	s6 =	simm.s32 @!p1 $0x1082;
	[sflag:s4] =	ssyncset.s32 $0xFFFFF086  }
0x25: {  	[simem:s6], [sflag:s4] =	dma.local [hbm:s3], $0xF7A  }
0x26: {  	[smem:$0x3F9D] =	sst s1;
	(tag) =	ssettag s2;
	_ =	strace s9  }
0x27: {  	s1 =	sld [smem:$0x3FAD]  }
0x28: {  	s2 =	sld [smem:$0x3FAE]  }
0x29: {  	s4 =	sld [smem:$0x3FB0]  }
0x2a: {  	p0 =	seq.s32 s5, $0x0;
	s5 =	sld [smem:$0x3FB1]  }
0x2b: {  	s6 =	sld [smem:$0x3FB2]  }
0x2c: {  	s7 =	sld [smem:$0x3FB3]  }
0x2d: {  	s3 =	simm.s32 $0x108;
	s8 =	sld [smem:$0x3FB4]  }
0x2e: {  	s3 =	simm.s32 @!p0 $0x1082;
	s9 =	sld [smem:$0x3FB5]  }
0x2f: {  	lr =	sadd.s32 s0, s3;
	s0 =	sld [smem:$0x3FAC]  }
0x30: {  	s3 =	sld [smem:$0x3FAF]  }
0x31: {  	[smem:$0x3FB8] =	sst s10  }
0x32: {  	s10 =	sld [smem:$0x3FB6];
	_ =	sdelay $0x3  }
0x33: {  	p0 =	seq.s32 s10, $0x1;
	s10 =	sld [smem:$0x3FB8];
	_ =	sdelay $0x3  }
0x34: {  	[smem:$0x3FB8] =	sst s10  }
0x35: {  	s10 =	sld [smem:$0x3FB7];
	_ =	sdelay $0x3  }
0x36: {  	p1 =	seq.s32 s10, $0x1;
	s10 =	sld [smem:$0x3FB8];
	_ =	sdelay $0x3  }
0x37: {  	[smem:$0x3FB8] =	sst s10  }
0x38: {  	s10 =	sld [smem:$0x3FB9]  }
0x39: {  	_ = 	snop;
	(pc) =	sbr.ind lr, $3  }
0x3a: {  	_ = 	snop  }
0x3b: {  	_ = 	snop  }
0x3c: {  	p2 =	seq.s32 s10, $0x1;
	s10 =	sld [smem:$0x3FB8]  }
0x3d: {  	_ =	shalt  }
0x3e: {  	_ =	shalt  }
0x3f: {  	_ =	shalt  }
0x40: {  	_ =	shalt  }
0x41: {  	_ =	shalt  }
0x42: {  	_ =	shalt  }
0x43: {  	_ =	shalt  }
0x44: {  	_ =	shalt  }
0x45: {  	_ =	shalt  }
0x46: {  	_ =	shalt  }
0x47: {  	_ =	shalt  }
0x48: {  	_ =	shalt  }
0x49: {  	_ =	shalt  }
0x4a: {  	_ =	shalt  }
0x4b: {  	_ =	shalt  }
0x4c: {  	_ =	shalt  }
0x4d: {  	_ =	shalt  }
0x4e: {  	_ =	shalt  }
0x4f: {  	_ =	shalt  }
0x50: {  	_ =	shalt  }
0x51: {  	_ =	shalt  }
0x52: {  	_ =	shalt  }
0x53: {  	_ =	shalt  }
0x54: {  	_ =	shalt  }
0x55: {  	_ =	shalt  }
0x56: {  	_ =	shalt  }
0x57: {  	_ =	shalt  }
0x58: {  	_ =	shalt  }
0x59: {  	_ =	shalt  }
0x5a: {  	_ =	shalt  }
0x5b: {  	_ =	shalt  }
0x5c: {  	_ =	shalt  }
0x5d: {  	_ =	shalt  }
0x5e: {  	_ =	shalt  }
0x5f: {  	_ =	shalt  }
0x60: {  	_ =	shalt  }
0x61: {  	_ =	shalt  }
0x62: {  	_ =	shalt  }
0x63: {  	_ =	shalt  }
0x64: {  	_ =	shalt  }
0x65: {  	_ =	shalt  }
0x66: {  	_ =	shalt  }
0x67: {  	_ =	shalt  }
0x68: {  	_ =	shalt  }
0x69: {  	_ =	shalt  }
0x6a: {  	_ =	shalt  }
0x6b: {  	_ =	shalt  }
0x6c: {  	_ =	shalt  }
0x6d: {  	_ =	shalt  }
0x6e: {  	_ =	shalt  }
0x6f: {  	_ =	shalt  }
0x70: {  	_ =	shalt  }
0x71: {  	_ =	shalt  }
0x72: {  	_ =	shalt  }
0x73: {  	_ =	shalt  }
0x74: {  	_ =	shalt  }
0x75: {  	_ =	shalt  }
0x76: {  	_ =	shalt  }
0x77: {  	_ =	shalt  }
0x78: {  	_ =	shalt  }
0x79: {  	_ =	shalt  }
0x7a: {  	_ =	shalt  }
0x7b: {  	_ =	shalt  }
0x7c: {  	_ =	shalt  }
0x7d: {  	_ =	shalt  }
0x7e: {  	_ =	shalt  }
0x7f: {  	_ =	shalt  }
0x80: {  	_ =	shalt  }
0x81: {  	_ =	shalt  }
0x82: {  	_ =	shalt  }
0x83: {  	_ =	shalt  }
0x84: {  	_ =	shalt  }
0x85: {  	_ =	shalt  }
0x86: {  	_ =	shalt  }
0x87: {  	_ =	shalt  }
.Lfunc_end0:
.L_simem_size_0:
called_computation_lowered:
.L_overlay_start_0:
0x88: {  	s2 =	sld [smem:$0x3FD9]  }
0x89: {  	s3 =	sld [smem:$0x3FFE];
	_ =	sdelay $0x1  }
0x8a: {  	s1 =	srdreg.scid  }
0x8b: {  	s0 =	sand.u32 $0x1, s1  }
0x8c: {  	s17 =	sshll.u32 s0, $0xA;
	s2 =	sadd.s32 s3, s2  }
0x8d: {  	s2 =	sadd.s32 s2, s17  }
0x8e: {  	[smem:$0x3FC4] =	sst s2  }
0x8f: {  	_ = 	snop  }
0x90: {  	s2 =	sld [smem:$0x3FC7];
	(tm) =	ssettm $0x1  }
0x91: {  	s18 =	sld [smem:$0x3FFB];
	_ =	sdelay $0x3  }
0x92: {  	_ =	strace s18  }
0x93: {  	s3 =	sld [smem:$0x3FFC];
	_ =	sdelay $0x3  }
0x94: {  	_ =	strace s3  }
0x95: {  	s3 =	sld [smem:$0x3FFD];
	_ =	sdelay $0x3  }
0x96: {  	_ =	strace s3  }
0x97: {  	_ =	strace $0x8FFFFFFF  }
0x98: {  	s19 =	sld [smem:$0x3FDB];
	_ =	sdelay $0x1  }
0x99: {  	s4 =	simm.s32 $_scs_section_size  }
0x9a: {  	s5 =	simm.s32 $_size__tile_overlayer_lowered;
	s6 =	simm.s32 $_tile_overlayer_lowered  }
0x9b: {  	s22 =	simm.s32 $0x1BFF;
	s21 =	sshll.u32 s6, $0x1;
	s3 =	sadd.s32 s4, s19  }
0x9c: {  	s7 =	simm.s32 $0x0;
	s20 =	sshll.u32 s5, $0x1;
	s5 =	sadd.s32 s21, s3  }
0x9d: {  	[timem:s7], [sflag:s22] =	dma.local [hbm:s5], s20  }
0x9e: {  	_ =	swait.ge [sflag:s22], s20  }
0x9f: {  	s4 =	ssub.s32 $0x0, s20;
	[sflag:s22] =	ssyncset.done $0x0  }
0xa0: {  	[sflag:s22] =	ssyncadd.s32 s4;
	_ =	sdelay $0x1  }
0xa1: {  	s23 =	simm.s32 $0x1B8B  }
0xa2: {  	_ =	swait.ge [sflag:s23], $0x1  }
0xa3: {  	[sflag:s23] =	ssyncset.done $0x0  }
0xa4: {  	s25 =	simm.s32 $0x1B8E;
	s24 =	sld [smem:$0x3FFE];
	[sflag:s23] =	ssyncadd.s32 $0xFFFFFFFF  }
0xa5: {  	s26 =	simm.s32 $execute0_lowered;
	[smem:$0x3FD2] =	sst s25  }
0xa6: {  	s5 =	sshll.u32 s26, $0x1;
	_ =	strace $0x80000046;
	[dreg:$0x1] =	wrdreg $0xFFFFFFFF  }
0xa7: {  	s28 =	simm.s32 $_size_execute0_lowered;
	s3 =	sadd.s32 s3, s5;
	[dreg:$0x0] =	wrdreg $0x0  }
0xa8: {  	s5 =	sshll.u32 s28, $0x1;
	[dreg:$0x2] =	wrdreg s3  }
0xa9: {  	[dreg:$0x3] =	wrdreg s5  }
0xaa: {  	[dreg:$0x4] =	wrdreg $0xC0  }
0xab: {  	_ =	task [dreg:s7], $0x5FFFF  }
0xac: {  	[dreg:$0x1] =	wrdreg $0xFFFFFFFF  }
0xad: {  	[dreg:$0x0] =	wrdreg $0x60  }
0xae: {  	[dreg:$0x2] =	wrdreg s24  }
0xaf: {  	[dreg:$0x3] =	wrdreg s2  }
0xb0: {  	[dreg:$0x4] =	wrdreg $0x9  }
0xb1: {  	_ =	task.clear_ibuf [dreg:s7], $0x5FFFF;
	_ =	strace $0x90000046  }
0xb2: {  	s29 =	simm.s32 $0x9;
	_ =	strace $0x80000048  }
0xb3: {  	_ =	swait.ge [sflag:s29], $0x1  }
0xb4: {  	[sflag:s29] =	ssyncadd.s32 $0xFFFFFFFF  }
0xb5: {  	_ =	strace $0x90000048  }
0xb6: {  	_ =	sfence  }
0xb7: {  	s30 =	sld [smem:$0x0];
	_ =	sdelay $0x2  }
0xb8: {  	s31 =	sshll.u32 s1, $0xD;
	s1 =	sshrl.u32 s1, $0x2  }
0xb9: {  	s3 =	sand.u32 $0x4000, s31;
	s1 =	sadd.s32 s1, s30  }
0xba: {  	s0 =	sor.u32 s3, s0;
	s1 =	sshll.u32 s1, $0x11  }
0xbb: {  	s0 =	sor.u32 s1, s0  }
0xbc: {  	s0 =	sadd.s32 $0x8F2B, s0  }
0xbd: {  	[sflag:s0] =	ssyncadd.remote.s32 $0x1  }
0xbe: {  	_ =	sfence.sel $0xFFFF  }
0xbf: {  	[dreg:$0x0] =	wrdreg $0xFFFFFFFF;
	(pc) =	sbr.abs _section_cstart, $3  }
0xc0: {  	[dreg:$0x1] =	wrdreg $0xFFFFFFFF  }
0xc1: {  	_ =	task.clear_ibuf [dreg:s7], $0x2FFFF;
	_ =	strace $0x9FFFFFFF  }
0xc2: {  	(tm) =	ssettm $0x7FFFFFFF  }
0xc3: {  	_ =	shalt  }
tec
execute0_lowered:
.L_overlay_start_1:
0x0: {  	(tag) =	ssettag $0x1  }
0x1: {  	s8 =	rddreg [dreg:$0x0]  }
0x2: {  	s3 =	rddreg [dreg:$0x1]  }
0x3: {  	s2 =	srdreg.scid;
	s0 =	rddreg [dreg:$0x2]  }
0x4: {  	s1 =	stileid.u32;
	s7 =	simm.s32 $0x1;
	s6 =	sand.u32 $0x1, s2  }
0x5: {  	s2 =	simm.s32 $0x0;
	s4 =	sshll.u32 s1, $0x5;
	s5 =	sshll.u32 s6, $0x4  }
0x6: {  	[smem:$0x7FF] =	sst s2;
	s10 =	ssub.s32 $0x2, s6;
	s9 =	sor.u32 s5, s4  }
0x7: {  	_ =	strace $0x80000047;
	s4 =	sadd.s32 s3, s9;
	s3 =	simm.s32 $0x2  }
0x8: {  	[tilespmem:s2], [sflag:$0x2] =	stream.linear.gather [hbm4b:s4+s2], $0x80, $0x38;
	[tilespmem:$0x100] =	vst v63  }
0x9: {  	s6 =	simm.s32 $0x80;
	s11 =	sshrl.u32 s10, $0x1;
	_ =	swait.ge [sflag:s3], $0x80  }
0xa: {  	s5 =	sadd.s32 $0x600, s8;
	s31 =	ssub.s32 s10, s11;
	[sflag:s3] =	ssyncset.done $0x0  }
0xb: {  	s8 =	sadd.s32 s9, s8;
	s9 =	smax.u32 s31, $0x1;
	[sflag:s3] =	ssyncadd.s32 $0xFFFFFF80  }
0xc: {  	[tilespmem:s6], [sflag:$0x1] =	stream.indirect.gather [hbm4b:s5+s6], $0x1, s2, s6, $0xb8;
	[tilespmem:$0x100] =	vst v63  }
0xd: {  	p0 =	sne.s32 s9, $0x1;
	_ =	swait.ge [sflag:s7], $0x80  }
.Ltmp0:
0xe: {  	[sflag:s7] =	ssyncset.done $0x0;
	(pc) =	sbr.rel @!p0 .LBB2_2-.Ltmp0, $4  }
0xf: {  	s8 =	sadd.s32 $0x2000, s8;
	[sflag:s7] =	ssyncadd.s32 $0xFFFFFF80  }
0x10: {  	[hbm4b:s8+s2] =	stream.linear.scatter [tilespmem:s6], [sflag:$0x2], $0x80, $0x38;
	[tilespmem:$0x100] =	vst v63  }
0x11: {  	_ =	swait.ge [sflag:s3], $0x80  }
0x12: {  	s9 =	sadd.s32 $0xFFFFFFFF, s9;
	[sflag:s3] =	ssyncset.done $0x0  }
.LBB2_1:
0x13: {  	p0 =	sne.s32 s9, $0x1;
	s9 =	sadd.s32 $0xFFFFFFFF, s9;
	[sflag:s3] =	ssyncadd.s32 $0xFFFFFF80  }
0x14: {  	[tilespmem:s2], [sflag:$0x2] =	stream.linear.gather [hbm4b:s4+s2], $0x80, $0x38;
	[tilespmem:$0x100] =	vst v63  }
0x15: {  	_ =	swait.ge [sflag:s3], $0x80  }
0x16: {  	[sflag:s3] =	ssyncset.done $0x0  }
0x17: {  	[sflag:s3] =	ssyncadd.s32 $0xFFFFFF80  }
0x18: {  	[tilespmem:s6], [sflag:$0x1] =	stream.indirect.gather [hbm4b:s5+s6], $0x1, s2, s6, $0xb8;
	[tilespmem:$0x100] =	vst v63  }
0x19: {  	_ =	swait.ge [sflag:s7], $0x80  }
.Ltmp1:
0x1a: {  	[sflag:s7] =	ssyncset.done $0x0;
	(pc) =	sbr.rel @p0 .LBB2_1-.Ltmp1, $4  }
0x1b: {  	[sflag:s7] =	ssyncadd.s32 $0xFFFFFF80  }
0x1c: {  	[hbm4b:s8+s2] =	stream.linear.scatter [tilespmem:s6], [sflag:$0x2], $0x80, $0x38;
	[tilespmem:$0x100] =	vst v63  }
0x1d: {  	_ =	swait.ge [sflag:s3], $0x80  }
0x1e: {  	[sflag:s3] =	ssyncset.done $0x0  }
.LBB2_2:
0x1f: {  	[sflag:s3] =	ssyncadd.s32 $0xFFFFFF80  }
0x20: {  	_ =	sfence.sel $0x180000  }
0x21: {  	[bflag:$0x0] =	sbarrier.arrive $0xFFFF  }
0x22: {  	p0 =	sne.s32 s1, $0x0;
	_ =	strace $0x90000047  }
0x23: {  	s0 =	sadd.s32 @!p0 $0x100000, s0;
	[bflag:$0x2] =	sbarrier.arrive $0xFFFF  }
0x24: {  	[sflag:s0] =	ssyncadd.tile.s32 @!p0 $0x1;
	_ =	shalt  }
.Lfunc_end2:
_tile_overlayer_lowered:
.L_overlay_start_2:
0x25: {  	(tag) =	ssettag $0x2  }
0x26: {  	s0 =	rddreg [dreg:$0x0];
	s2 =	stileid.u32  }
0x27: {  	s1 =	rddreg [dreg:$0x1];
	p0 =	sne.s32 s2, $0x0  }
0x28: {  	s3 =	rddreg [dreg:$0x2];
	[bflag:$0x3] =	sbarrier.arrive $0xFFFF;
	s2 =	simm.s32 @!p0 $0x1C02  }
0x29: {  	[timem:s3], [sflag:s2] =	dma.local @!p0 [hbm:s0], s1  }
0x2a: {  	s0 =	simm.s32 @!p0 $0x2  }
0x2b: {  	_ =	swait.ge @!p0 [sflag:s0], s1  }
0x2c: {  	s1 =	ssub.s32 @!p0 $0x0, s1;
	[sflag:s0] =	ssyncset.done @!p0 $0x0  }
0x2d: {  	[sflag:s0] =	ssyncadd.s32 @!p0 s1  }
0x2e: {  	[bflag:$0x3] =	sbarrier.arrive $0xFFFF  }
0x2f: {  	_ =	shalt  }

</sc_bundles>
